<compile_context>
chip_gen: v7x
topology: tpu7x:2x2x1
jax: 0.10.2.dev20260603
libtpu: 0.0.44.dev20260713+nightly
codegen_flags: <defaults>
</compile_context>

<pallas_src>
import jax
import jax.numpy as jnp
from jax.experimental import pallas as pl
from jax.experimental.pallas import tpu as pltpu


def _dgsc_kernel(x_ref, adjp_ref, adjpT_ref, x22_ref, wch_ref, wc3t_ref,
                 bch_ref, bcv_ref, out_ref):
    b = pl.program_id(0)
    nn = adjp_ref.shape[0]
    t = out_ref.shape[2]

    dims2d = (((1,), (0,)), ((), ()))

    xb = x_ref[0]
    wd = wch_ref[0] - wch_ref[2]
    y = jax.lax.dot_general(wd, xb, dims2d,
                            preferred_element_type=jnp.float32)
    acc = None
    for n in range(nn):
        part = jax.lax.dot_general(wc3t_ref[n], y[:, n * t:(n + 1) * t], dims2d,
                                   preferred_element_type=jnp.float32)
        acc = part if acc is None else acc + part

    a_oi = jnp.sum(wc3t_ref[...], axis=0)
    const = jax.lax.dot_general(a_oi, bch_ref[...], (((1,), (1,)), ((), ())),
                                preferred_element_type=jnp.float32)
    acc = acc + const + bcv_ref[...]

    adj = 0.5 * (jax.nn.sigmoid(adjp_ref[...]) + jax.nn.sigmoid(adjpT_ref[...]))
    r = jax.lax.broadcasted_iota(jnp.int32, (nn, nn), 0)
    c = jax.lax.broadcasted_iota(jnp.int32, (nn, nn), 1)
    adj = jnp.where(r == c, 0.0, adj)
    deg = jnp.sum(adj, axis=1, keepdims=True)
    degt = jnp.sum(adj, axis=0, keepdims=True)
    dis = jnp.where(deg > 0, jax.lax.rsqrt(deg), 0.0)
    dist = jnp.where(degt > 0, jax.lax.rsqrt(degt), 0.0)
    s = -(dis * adj * dist)

    p1 = jax.lax.dot_general(s, x22_ref[...], dims2d,
                             preferred_element_type=jnp.float32)
    p2 = jax.lax.dot_general(s, p1, dims2d,
                             preferred_element_type=jnp.float32)
    corr = (jax.lax.dot_general(p1, wch_ref[1], (((1,), (1,)), ((), ())),
                                preferred_element_type=jnp.float32)
            + 2.0 * jax.lax.dot_general(p2, wch_ref[2], (((1,), (1,)), ((), ())),
                                        preferred_element_type=jnp.float32))
    prod = wc3t_ref[...] * corr[:, None, :]
    delta = jnp.sum(jnp.sum(prod, axis=0), axis=1, keepdims=True)

    tcol = jax.lax.broadcasted_iota(jnp.int32, acc.shape, 1)
    acc = acc + jnp.where((tcol == 0) & (b == 0), delta, 0.0)

    out_ref[0] = acc


def kernel(x, adj_param, W_cheb, b_cheb, W_conv, b_conv):
    B, CIN, NN, T = x.shape
    K, COUT, _ = W_cheb.shape

    xr = x.reshape(B, CIN, NN * T)
    x22 = x[0, :, :, 0].T
    adjp = adj_param
    adjpT = adj_param.T
    wc3t = jnp.transpose(W_conv[:, :, :, 0], (2, 0, 1))
    bch = b_cheb.reshape(1, COUT)
    bcv = b_conv.reshape(COUT, 1)

    out = pl.pallas_call(
        _dgsc_kernel,
        grid=(B,),
        in_specs=[
            pl.BlockSpec((1, CIN, NN * T), lambda b: (b, 0, 0)),
            pl.BlockSpec((NN, NN), lambda b: (0, 0)),
            pl.BlockSpec((NN, NN), lambda b: (0, 0)),
            pl.BlockSpec((NN, CIN), lambda b: (0, 0)),
            pl.BlockSpec((K, COUT, CIN), lambda b: (0, 0, 0)),
            pl.BlockSpec((NN, COUT, COUT), lambda b: (0, 0, 0)),
            pl.BlockSpec((1, COUT), lambda b: (0, 0)),
            pl.BlockSpec((COUT, 1), lambda b: (0, 0)),
        ],
        out_specs=pl.BlockSpec((1, COUT, T), lambda b: (b, 0, 0)),
        out_shape=jax.ShapeDtypeStruct((B, COUT, T), jnp.float32),
        compiler_params=pltpu.CompilerParams(
            dimension_semantics=("parallel",),
        ),
    )(xr, adjp, adjpT, x22, W_cheb, wc3t, bch, bcv)

    return out[:, :, None, :]

# --- scband reference (transcript-rebuilt; emitter-appended) ---
"""Pipeline reference for scband-dynamic-graph-spatial-conv-30580167147628 (READ-ONLY COPY).

The authoritative reference and input builder live on the scoring server;
editing this copy changes nothing except your own understanding.
"""

import jax, jax.numpy as jnp
import numpy as np

B, CIN, NN, T = 64, 32, 22, 512
COUT, K = 32, 3

def setup_inputs(seed: int = 0):
    key = jax.random.key(seed)
    ks = jax.random.split(key, 6)
    x = jax.random.normal(ks[0], (B, CIN, NN, T), dtype=jnp.float32)
    adj_param = jax.random.normal(ks[1], (NN, NN), dtype=jnp.float32)
    W_cheb = jax.random.normal(ks[2], (K, COUT, CIN), dtype=jnp.float32) * (1.0 / np.sqrt(CIN))
    b_cheb = jax.random.normal(ks[3], (COUT,), dtype=jnp.float32) * 0.01
    W_conv = jax.random.normal(ks[4], (COUT, COUT, NN, 1), dtype=jnp.float32) * (1.0 / np.sqrt(COUT * NN))
    b_conv = jax.random.normal(ks[5], (COUT,), dtype=jnp.float32) * 0.01
    return {"x": x, "adj_param": adj_param, "W_cheb": W_cheb, "b_cheb": b_cheb, "W_conv": W_conv, "b_conv": b_conv}

def reference(x, adj_param, W_cheb, b_cheb, W_conv, b_conv):
    batch, in_ch, num_nodes, time = x.shape
    # learned dense adjacency -> sparse edges (all off-diagonal entries, sigmoid > 0)
    adj = jax.nn.sigmoid(adj_param)
    adj = (adj + adj.T) / 2.0
    adj = adj * (1.0 - jnp.eye(num_nodes, dtype=adj.dtype))
    # ChebConv sym-normalization with lambda_max=2.0:
    # scaled Laplacian S = 2L/lambda_max - I = -D^{-1/2} A D^{-1/2} (zero diagonal).
    # NOTE (faithful to original): edge_index from dense_to_sparse only covers the
    # first num_nodes node ids of the flattened batch*time*num_nodes node set, so
    # propagation touches only those rows; all other rows of S are zero.
    deg = adj.sum(axis=1)
    dis = jnp.where(deg > 0, deg ** -0.5, 0.0)
    S22 = -(dis[:, None] * adj * dis[None, :])
    xp = jnp.transpose(x, (0, 3, 2, 1))  # [B, T, N, C]
    x_flat = xp.reshape(batch * time * num_nodes, in_ch)
    N_total = batch * time * num_nodes

    def prop(y):
        top = S22 @ y[:num_nodes]
        return jnp.concatenate([top, jnp.zeros((N_total - num_nodes, y.shape[1]), y.dtype)], axis=0)

    Tx0 = x_flat
    out = Tx0 @ W_cheb[0].T
    Tx1 = prop(Tx0)
    out = out + Tx1 @ W_cheb[1].T
    Tx2 = 2.0 * prop(Tx1) - Tx0
    out = out + Tx2 @ W_cheb[2].T
    out = out + b_cheb
    out = out.reshape(batch, time, num_nodes, COUT)
    out = jnp.transpose(out, (0, 3, 2, 1))  # [B, COUT, N, T]
    # Conv2d(COUT, COUT, kernel=(num_nodes,1)) collapses the node axis
    agg = jnp.einsum('bint,oin->bot', out, W_conv[..., 0]) + b_conv[None, :, None]
    return agg[:, :, None, :]

if __name__ == "__main__":
    import jax
    _d = setup_inputs()
    print(jax.jit(kernel)(*tuple(_d.values())))

</pallas_src>

<mosaic_0001>
module attributes {stable_mosaic.version = 14 : i64} {
  func.func @_dgsc_kernel(%arg0: i32, %arg1: memref<1x32x11264xf32, #tpu.memory_space<vmem>>, %arg2: memref<22x22xf32, #tpu.memory_space<vmem>>, %arg3: memref<22x22xf32, #tpu.memory_space<vmem>>, %arg4: memref<22x32xf32, #tpu.memory_space<vmem>>, %arg5: memref<3x32x32xf32, #tpu.memory_space<vmem>>, %arg6: memref<22x32x32xf32, #tpu.memory_space<vmem>>, %arg7: memref<1x32xf32, #tpu.memory_space<vmem>>, %arg8: memref<32x1xf32, #tpu.memory_space<vmem>>, %arg9: memref<1x32x512xf32, #tpu.memory_space<vmem>>) attributes {dimension_semantics = [#tpu.dimension_semantics<parallel>], iteration_bounds = array<i64: 64>, scalar_prefetch = 0 : i64, scratch_operands = 0 : i64, tpu.core_type = #tpu.core_type<tc>, window_params = [{transform_indices = @transform_0, window_bounds = array<i64: 1, 32, 11264>}, {pipeline_mode = #tpu.pipeline_mode<synchronous>, transform_indices = @transform_1, window_bounds = array<i64: 22, 22>}, {pipeline_mode = #tpu.pipeline_mode<synchronous>, transform_indices = @transform_2, window_bounds = array<i64: 22, 22>}, {pipeline_mode = #tpu.pipeline_mode<synchronous>, transform_indices = @transform_3, window_bounds = array<i64: 22, 32>}, {pipeline_mode = #tpu.pipeline_mode<synchronous>, transform_indices = @transform_4, window_bounds = array<i64: 3, 32, 32>}, {pipeline_mode = #tpu.pipeline_mode<synchronous>, transform_indices = @transform_5, window_bounds = array<i64: 22, 32, 32>}, {pipeline_mode = #tpu.pipeline_mode<synchronous>, transform_indices = @transform_6, window_bounds = array<i64: 1, 32>}, {pipeline_mode = #tpu.pipeline_mode<synchronous>, transform_indices = @transform_7, window_bounds = array<i64: 32, 1>}, {transform_indices = @transform_8, window_bounds = array<i64: 1, 32, 512>}]} {
    %get3A = arith.constant 0 : index
    %get3A_0 = arith.constant 0 : index
    %get3A_1 = arith.constant 0 : index
    %get3A_2 = vector.load %arg1[%get3A, %get3A_0, %get3A_1] : memref<1x32x11264xf32, #tpu.memory_space<vmem>>, vector<1x32x11264xf32>
    %get3A_3 = vector.shape_cast %get3A_2 : vector<1x32x11264xf32> to vector<32x11264xf32>
    %get3A_4 = arith.constant 0 : index
    %get3A_5 = arith.constant 0 : index
    %get3A_6 = arith.constant 0 : index
    %get3A_7 = vector.load %arg5[%get3A_4, %get3A_5, %get3A_6] : memref<3x32x32xf32, #tpu.memory_space<vmem>>, vector<1x32x32xf32>
    %get3A_8 = vector.shape_cast %get3A_7 : vector<1x32x32xf32> to vector<32x32xf32>
    %get3A_9 = arith.constant 2 : index
    %get3A_10 = arith.constant 0 : index
    %get3A_11 = arith.constant 0 : index
    %get3A_12 = vector.load %arg5[%get3A_9, %get3A_10, %get3A_11] : memref<3x32x32xf32, #tpu.memory_space<vmem>>, vector<1x32x32xf32>
    %get3A_13 = vector.shape_cast %get3A_12 : vector<1x32x32xf32> to vector<32x32xf32>
    %sub3A = arith.subf %get3A_8, %get3A_13 : vector<32x32xf32>
    %dot_general3A = arith.constant dense<0.000000e+00> : vector<32x11264xf32>
    %dot_general3A_14 = tpu.matmul %sub3A, %get3A_3, %dot_general3A {dimension_numbers = #tpu.dot_dimension_numbers<[1], [0], [0], [1], [0, 0, 1, 1], [], []>, transpose_lhs_hint = false} : vector<32x32xf32>, vector<32x11264xf32>, vector<32x11264xf32> -> vector<32x11264xf32>
    %get3A_15 = arith.constant 0 : index
    %get3A_16 = arith.constant 0 : index
    %get3A_17 = arith.constant 0 : index
    %get3A_18 = vector.load %arg6[%get3A_15, %get3A_16, %get3A_17] : memref<22x32x32xf32, #tpu.memory_space<vmem>>, vector<1x32x32xf32>
    %get3A_19 = vector.shape_cast %get3A_18 : vector<1x32x32xf32> to vector<32x32xf32>
    %slice3A = vector.extract_strided_slice %dot_general3A_14 {offsets = [0, 0], sizes = [32, 512], strides = [1, 1]} : vector<32x11264xf32> to vector<32x512xf32>
    %dot_general3A_20 = arith.constant dense<0.000000e+00> : vector<32x512xf32>
    %dot_general3A_21 = tpu.matmul %get3A_19, %slice3A, %dot_general3A_20 {dimension_numbers = #tpu.dot_dimension_numbers<[1], [0], [0], [1], [0, 0, 1, 1], [], []>, transpose_lhs_hint = false} : vector<32x32xf32>, vector<32x512xf32>, vector<32x512xf32> -> vector<32x512xf32>
    %get3A_22 = arith.constant 1 : index
    %get3A_23 = arith.constant 0 : index
    %get3A_24 = arith.constant 0 : index
    %get3A_25 = vector.load %arg6[%get3A_22, %get3A_23, %get3A_24] : memref<22x32x32xf32, #tpu.memory_space<vmem>>, vector<1x32x32xf32>
    %get3A_26 = vector.shape_cast %get3A_25 : vector<1x32x32xf32> to vector<32x32xf32>
    %slice3A_27 = vector.extract_strided_slice %dot_general3A_14 {offsets = [0, 512], sizes = [32, 512], strides = [1, 1]} : vector<32x11264xf32> to vector<32x512xf32>
    %dot_general3A_28 = arith.constant dense<0.000000e+00> : vector<32x512xf32>
    %dot_general3A_29 = tpu.matmul %get3A_26, %slice3A_27, %dot_general3A_28 {dimension_numbers = #tpu.dot_dimension_numbers<[1], [0], [0], [1], [0, 0, 1, 1], [], []>, transpose_lhs_hint = false} : vector<32x32xf32>, vector<32x512xf32>, vector<32x512xf32> -> vector<32x512xf32>
    %add3A = arith.addf %dot_general3A_21, %dot_general3A_29 : vector<32x512xf32>
    %get3A_30 = arith.constant 2 : index
    %get3A_31 = arith.constant 0 : index
    %get3A_32 = arith.constant 0 : index
    %get3A_33 = vector.load %arg6[%get3A_30, %get3A_31, %get3A_32] : memref<22x32x32xf32, #tpu.memory_space<vmem>>, vector<1x32x32xf32>
    %get3A_34 = vector.shape_cast %get3A_33 : vector<1x32x32xf32> to vector<32x32xf32>
    %slice3A_35 = vector.extract_strided_slice %dot_general3A_14 {offsets = [0, 1024], sizes = [32, 512], strides = [1, 1]} : vector<32x11264xf32> to vector<32x512xf32>
    %dot_general3A_36 = arith.constant dense<0.000000e+00> : vector<32x512xf32>
    %dot_general3A_37 = tpu.matmul %get3A_34, %slice3A_35, %dot_general3A_36 {dimension_numbers = #tpu.dot_dimension_numbers<[1], [0], [0], [1], [0, 0, 1, 1], [], []>, transpose_lhs_hint = false} : vector<32x32xf32>, vector<32x512xf32>, vector<32x512xf32> -> vector<32x512xf32>
    %add3A_38 = arith.addf %add3A, %dot_general3A_37 : vector<32x512xf32>
    %get3A_39 = arith.constant 3 : index
    %get3A_40 = arith.constant 0 : index
    %get3A_41 = arith.constant 0 : index
    %get3A_42 = vector.load %arg6[%get3A_39, %get3A_40, %get3A_41] : memref<22x32x32xf32, #tpu.memory_space<vmem>>, vector<1x32x32xf32>
    %get3A_43 = vector.shape_cast %get3A_42 : vector<1x32x32xf32> to vector<32x32xf32>
    %slice3A_44 = vector.extract_strided_slice %dot_general3A_14 {offsets = [0, 1536], sizes = [32, 512], strides = [1, 1]} : vector<32x11264xf32> to vector<32x512xf32>
    %dot_general3A_45 = arith.constant dense<0.000000e+00> : vector<32x512xf32>
    %dot_general3A_46 = tpu.matmul %get3A_43, %slice3A_44, %dot_general3A_45 {dimension_numbers = #tpu.dot_dimension_numbers<[1], [0], [0], [1], [0, 0, 1, 1], [], []>, transpose_lhs_hint = false} : vector<32x32xf32>, vector<32x512xf32>, vector<32x512xf32> -> vector<32x512xf32>
    %add3A_47 = arith.addf %add3A_38, %dot_general3A_46 : vector<32x512xf32>
    %get3A_48 = arith.constant 4 : index
    %get3A_49 = arith.constant 0 : index
    %get3A_50 = arith.constant 0 : index
    %get3A_51 = vector.load %arg6[%get3A_48, %get3A_49, %get3A_50] : memref<22x32x32xf32, #tpu.memory_space<vmem>>, vector<1x32x32xf32>
    %get3A_52 = vector.shape_cast %get3A_51 : vector<1x32x32xf32> to vector<32x32xf32>
    %slice3A_53 = vector.extract_strided_slice %dot_general3A_14 {offsets = [0, 2048], sizes = [32, 512], strides = [1, 1]} : vector<32x11264xf32> to vector<32x512xf32>
    %dot_general3A_54 = arith.constant dense<0.000000e+00> : vector<32x512xf32>
    %dot_general3A_55 = tpu.matmul %get3A_52, %slice3A_53, %dot_general3A_54 {dimension_numbers = #tpu.dot_dimension_numbers<[1], [0], [0], [1], [0, 0, 1, 1], [], []>, transpose_lhs_hint = false} : vector<32x32xf32>, vector<32x512xf32>, vector<32x512xf32> -> vector<32x512xf32>
    %add3A_56 = arith.addf %add3A_47, %dot_general3A_55 : vector<32x512xf32>
    %get3A_57 = arith.constant 5 : index
    %get3A_58 = arith.constant 0 : index
    %get3A_59 = arith.constant 0 : index
    %get3A_60 = vector.load %arg6[%get3A_57, %get3A_58, %get3A_59] : memref<22x32x32xf32, #tpu.memory_space<vmem>>, vector<1x32x32xf32>
    %get3A_61 = vector.shape_cast %get3A_60 : vector<1x32x32xf32> to vector<32x32xf32>
    %slice3A_62 = vector.extract_strided_slice %dot_general3A_14 {offsets = [0, 2560], sizes = [32, 512], strides = [1, 1]} : vector<32x11264xf32> to vector<32x512xf32>
    %dot_general3A_63 = arith.constant dense<0.000000e+00> : vector<32x512xf32>
    %dot_general3A_64 = tpu.matmul %get3A_61, %slice3A_62, %dot_general3A_63 {dimension_numbers = #tpu.dot_dimension_numbers<[1], [0], [0], [1], [0, 0, 1, 1], [], []>, transpose_lhs_hint = false} : vector<32x32xf32>, vector<32x512xf32>, vector<32x512xf32> -> vector<32x512xf32>
    %add3A_65 = arith.addf %add3A_56, %dot_general3A_64 : vector<32x512xf32>
    %get3A_66 = arith.constant 6 : index
    %get3A_67 = arith.constant 0 : index
    %get3A_68 = arith.constant 0 : index
    %get3A_69 = vector.load %arg6[%get3A_66, %get3A_67, %get3A_68] : memref<22x32x32xf32, #tpu.memory_space<vmem>>, vector<1x32x32xf32>
    %get3A_70 = vector.shape_cast %get3A_69 : vector<1x32x32xf32> to vector<32x32xf32>
    %slice3A_71 = vector.extract_strided_slice %dot_general3A_14 {offsets = [0, 3072], sizes = [32, 512], strides = [1, 1]} : vector<32x11264xf32> to vector<32x512xf32>
    %dot_general3A_72 = arith.constant dense<0.000000e+00> : vector<32x512xf32>
    %dot_general3A_73 = tpu.matmul %get3A_70, %slice3A_71, %dot_general3A_72 {dimension_numbers = #tpu.dot_dimension_numbers<[1], [0], [0], [1], [0, 0, 1, 1], [], []>, transpose_lhs_hint = false} : vector<32x32xf32>, vector<32x512xf32>, vector<32x512xf32> -> vector<32x512xf32>
    %add3A_74 = arith.addf %add3A_65, %dot_general3A_73 : vector<32x512xf32>
    %get3A_75 = arith.constant 7 : index
    %get3A_76 = arith.constant 0 : index
    %get3A_77 = arith.constant 0 : index
    %get3A_78 = vector.load %arg6[%get3A_75, %get3A_76, %get3A_77] : memref<22x32x32xf32, #tpu.memory_space<vmem>>, vector<1x32x32xf32>
    %get3A_79 = vector.shape_cast %get3A_78 : vector<1x32x32xf32> to vector<32x32xf32>
    %slice3A_80 = vector.extract_strided_slice %dot_general3A_14 {offsets = [0, 3584], sizes = [32, 512], strides = [1, 1]} : vector<32x11264xf32> to vector<32x512xf32>
    %dot_general3A_81 = arith.constant dense<0.000000e+00> : vector<32x512xf32>
    %dot_general3A_82 = tpu.matmul %get3A_79, %slice3A_80, %dot_general3A_81 {dimension_numbers = #tpu.dot_dimension_numbers<[1], [0], [0], [1], [0, 0, 1, 1], [], []>, transpose_lhs_hint = false} : vector<32x32xf32>, vector<32x512xf32>, vector<32x512xf32> -> vector<32x512xf32>
    %add3A_83 = arith.addf %add3A_74, %dot_general3A_82 : vector<32x512xf32>
    %get3A_84 = arith.constant 8 : index
    %get3A_85 = arith.constant 0 : index
    %get3A_86 = arith.constant 0 : index
    %get3A_87 = vector.load %arg6[%get3A_84, %get3A_85, %get3A_86] : memref<22x32x32xf32, #tpu.memory_space<vmem>>, vector<1x32x32xf32>
    %get3A_88 = vector.shape_cast %get3A_87 : vector<1x32x32xf32> to vector<32x32xf32>
    %slice3A_89 = vector.extract_strided_slice %dot_general3A_14 {offsets = [0, 4096], sizes = [32, 512], strides = [1, 1]} : vector<32x11264xf32> to vector<32x512xf32>
    %dot_general3A_90 = arith.constant dense<0.000000e+00> : vector<32x512xf32>
    %dot_general3A_91 = tpu.matmul %get3A_88, %slice3A_89, %dot_general3A_90 {dimension_numbers = #tpu.dot_dimension_numbers<[1], [0], [0], [1], [0, 0, 1, 1], [], []>, transpose_lhs_hint = false} : vector<32x32xf32>, vector<32x512xf32>, vector<32x512xf32> -> vector<32x512xf32>
    %add3A_92 = arith.addf %add3A_83, %dot_general3A_91 : vector<32x512xf32>
    %get3A_93 = arith.constant 9 : index
    %get3A_94 = arith.constant 0 : index
    %get3A_95 = arith.constant 0 : index
    %get3A_96 = vector.load %arg6[%get3A_93, %get3A_94, %get3A_95] : memref<22x32x32xf32, #tpu.memory_space<vmem>>, vector<1x32x32xf32>
    %get3A_97 = vector.shape_cast %get3A_96 : vector<1x32x32xf32> to vector<32x32xf32>
    %slice3A_98 = vector.extract_strided_slice %dot_general3A_14 {offsets = [0, 4608], sizes = [32, 512], strides = [1, 1]} : vector<32x11264xf32> to vector<32x512xf32>
    %dot_general3A_99 = arith.constant dense<0.000000e+00> : vector<32x512xf32>
    %dot_general3A_100 = tpu.matmul %get3A_97, %slice3A_98, %dot_general3A_99 {dimension_numbers = #tpu.dot_dimension_numbers<[1], [0], [0], [1], [0, 0, 1, 1], [], []>, transpose_lhs_hint = false} : vector<32x32xf32>, vector<32x512xf32>, vector<32x512xf32> -> vector<32x512xf32>
    %add3A_101 = arith.addf %add3A_92, %dot_general3A_100 : vector<32x512xf32>
    %get3A_102 = arith.constant 10 : index
    %get3A_103 = arith.constant 0 : index
    %get3A_104 = arith.constant 0 : index
    %get3A_105 = vector.load %arg6[%get3A_102, %get3A_103, %get3A_104] : memref<22x32x32xf32, #tpu.memory_space<vmem>>, vector<1x32x32xf32>
    %get3A_106 = vector.shape_cast %get3A_105 : vector<1x32x32xf32> to vector<32x32xf32>
    %slice3A_107 = vector.extract_strided_slice %dot_general3A_14 {offsets = [0, 5120], sizes = [32, 512], strides = [1, 1]} : vector<32x11264xf32> to vector<32x512xf32>
    %dot_general3A_108 = arith.constant dense<0.000000e+00> : vector<32x512xf32>
    %dot_general3A_109 = tpu.matmul %get3A_106, %slice3A_107, %dot_general3A_108 {dimension_numbers = #tpu.dot_dimension_numbers<[1], [0], [0], [1], [0, 0, 1, 1], [], []>, transpose_lhs_hint = false} : vector<32x32xf32>, vector<32x512xf32>, vector<32x512xf32> -> vector<32x512xf32>
    %add3A_110 = arith.addf %add3A_101, %dot_general3A_109 : vector<32x512xf32>
    %get3A_111 = arith.constant 11 : index
    %get3A_112 = arith.constant 0 : index
    %get3A_113 = arith.constant 0 : index
    %get3A_114 = vector.load %arg6[%get3A_111, %get3A_112, %get3A_113] : memref<22x32x32xf32, #tpu.memory_space<vmem>>, vector<1x32x32xf32>
    %get3A_115 = vector.shape_cast %get3A_114 : vector<1x32x32xf32> to vector<32x32xf32>
    %slice3A_116 = vector.extract_strided_slice %dot_general3A_14 {offsets = [0, 5632], sizes = [32, 512], strides = [1, 1]} : vector<32x11264xf32> to vector<32x512xf32>
    %dot_general3A_117 = arith.constant dense<0.000000e+00> : vector<32x512xf32>
    %dot_general3A_118 = tpu.matmul %get3A_115, %slice3A_116, %dot_general3A_117 {dimension_numbers = #tpu.dot_dimension_numbers<[1], [0], [0], [1], [0, 0, 1, 1], [], []>, transpose_lhs_hint = false} : vector<32x32xf32>, vector<32x512xf32>, vector<32x512xf32> -> vector<32x512xf32>
    %add3A_119 = arith.addf %add3A_110, %dot_general3A_118 : vector<32x512xf32>
    %get3A_120 = arith.constant 12 : index
    %get3A_121 = arith.constant 0 : index
    %get3A_122 = arith.constant 0 : index
    %get3A_123 = vector.load %arg6[%get3A_120, %get3A_121, %get3A_122] : memref<22x32x32xf32, #tpu.memory_space<vmem>>, vector<1x32x32xf32>
    %get3A_124 = vector.shape_cast %get3A_123 : vector<1x32x32xf32> to vector<32x32xf32>
    %slice3A_125 = vector.extract_strided_slice %dot_general3A_14 {offsets = [0, 6144], sizes = [32, 512], strides = [1, 1]} : vector<32x11264xf32> to vector<32x512xf32>
    %dot_general3A_126 = arith.constant dense<0.000000e+00> : vector<32x512xf32>
    %dot_general3A_127 = tpu.matmul %get3A_124, %slice3A_125, %dot_general3A_126 {dimension_numbers = #tpu.dot_dimension_numbers<[1], [0], [0], [1], [0, 0, 1, 1], [], []>, transpose_lhs_hint = false} : vector<32x32xf32>, vector<32x512xf32>, vector<32x512xf32> -> vector<32x512xf32>
    %add3A_128 = arith.addf %add3A_119, %dot_general3A_127 : vector<32x512xf32>
    %get3A_129 = arith.constant 13 : index
    %get3A_130 = arith.constant 0 : index
    %get3A_131 = arith.constant 0 : index
    %get3A_132 = vector.load %arg6[%get3A_129, %get3A_130, %get3A_131] : memref<22x32x32xf32, #tpu.memory_space<vmem>>, vector<1x32x32xf32>
    %get3A_133 = vector.shape_cast %get3A_132 : vector<1x32x32xf32> to vector<32x32xf32>
    %slice3A_134 = vector.extract_strided_slice %dot_general3A_14 {offsets = [0, 6656], sizes = [32, 512], strides = [1, 1]} : vector<32x11264xf32> to vector<32x512xf32>
    %dot_general3A_135 = arith.constant dense<0.000000e+00> : vector<32x512xf32>
    %dot_general3A_136 = tpu.matmul %get3A_133, %slice3A_134, %dot_general3A_135 {dimension_numbers = #tpu.dot_dimension_numbers<[1], [0], [0], [1], [0, 0, 1, 1], [], []>, transpose_lhs_hint = false} : vector<32x32xf32>, vector<32x512xf32>, vector<32x512xf32> -> vector<32x512xf32>
    %add3A_137 = arith.addf %add3A_128, %dot_general3A_136 : vector<32x512xf32>
    %get3A_138 = arith.constant 14 : index
    %get3A_139 = arith.constant 0 : index
    %get3A_140 = arith.constant 0 : index
    %get3A_141 = vector.load %arg6[%get3A_138, %get3A_139, %get3A_140] : memref<22x32x32xf32, #tpu.memory_space<vmem>>, vector<1x32x32xf32>
    %get3A_142 = vector.shape_cast %get3A_141 : vector<1x32x32xf32> to vector<32x32xf32>
    %slice3A_143 = vector.extract_strided_slice %dot_general3A_14 {offsets = [0, 7168], sizes = [32, 512], strides = [1, 1]} : vector<32x11264xf32> to vector<32x512xf32>
    %dot_general3A_144 = arith.constant dense<0.000000e+00> : vector<32x512xf32>
    %dot_general3A_145 = tpu.matmul %get3A_142, %slice3A_143, %dot_general3A_144 {dimension_numbers = #tpu.dot_dimension_numbers<[1], [0], [0], [1], [0, 0, 1, 1], [], []>, transpose_lhs_hint = false} : vector<32x32xf32>, vector<32x512xf32>, vector<32x512xf32> -> vector<32x512xf32>
    %add3A_146 = arith.addf %add3A_137, %dot_general3A_145 : vector<32x512xf32>
    %get3A_147 = arith.constant 15 : index
    %get3A_148 = arith.constant 0 : index
    %get3A_149 = arith.constant 0 : index
    %get3A_150 = vector.load %arg6[%get3A_147, %get3A_148, %get3A_149] : memref<22x32x32xf32, #tpu.memory_space<vmem>>, vector<1x32x32xf32>
    %get3A_151 = vector.shape_cast %get3A_150 : vector<1x32x32xf32> to vector<32x32xf32>
    %slice3A_152 = vector.extract_strided_slice %dot_general3A_14 {offsets = [0, 7680], sizes = [32, 512], strides = [1, 1]} : vector<32x11264xf32> to vector<32x512xf32>
    %dot_general3A_153 = arith.constant dense<0.000000e+00> : vector<32x512xf32>
    %dot_general3A_154 = tpu.matmul %get3A_151, %slice3A_152, %dot_general3A_153 {dimension_numbers = #tpu.dot_dimension_numbers<[1], [0], [0], [1], [0, 0, 1, 1], [], []>, transpose_lhs_hint = false} : vector<32x32xf32>, vector<32x512xf32>, vector<32x512xf32> -> vector<32x512xf32>
    %add3A_155 = arith.addf %add3A_146, %dot_general3A_154 : vector<32x512xf32>
    %get3A_156 = arith.constant 16 : index
    %get3A_157 = arith.constant 0 : index
    %get3A_158 = arith.constant 0 : index
    %get3A_159 = vector.load %arg6[%get3A_156, %get3A_157, %get3A_158] : memref<22x32x32xf32, #tpu.memory_space<vmem>>, vector<1x32x32xf32>
    %get3A_160 = vector.shape_cast %get3A_159 : vector<1x32x32xf32> to vector<32x32xf32>
    %slice3A_161 = vector.extract_strided_slice %dot_general3A_14 {offsets = [0, 8192], sizes = [32, 512], strides = [1, 1]} : vector<32x11264xf32> to vector<32x512xf32>
    %dot_general3A_162 = arith.constant dense<0.000000e+00> : vector<32x512xf32>
    %dot_general3A_163 = tpu.matmul %get3A_160, %slice3A_161, %dot_general3A_162 {dimension_numbers = #tpu.dot_dimension_numbers<[1], [0], [0], [1], [0, 0, 1, 1], [], []>, transpose_lhs_hint = false} : vector<32x32xf32>, vector<32x512xf32>, vector<32x512xf32> -> vector<32x512xf32>
    %add3A_164 = arith.addf %add3A_155, %dot_general3A_163 : vector<32x512xf32>
    %get3A_165 = arith.constant 17 : index
    %get3A_166 = arith.constant 0 : index
    %get3A_167 = arith.constant 0 : index
    %get3A_168 = vector.load %arg6[%get3A_165, %get3A_166, %get3A_167] : memref<22x32x32xf32, #tpu.memory_space<vmem>>, vector<1x32x32xf32>
    %get3A_169 = vector.shape_cast %get3A_168 : vector<1x32x32xf32> to vector<32x32xf32>
    %slice3A_170 = vector.extract_strided_slice %dot_general3A_14 {offsets = [0, 8704], sizes = [32, 512], strides = [1, 1]} : vector<32x11264xf32> to vector<32x512xf32>
    %dot_general3A_171 = arith.constant dense<0.000000e+00> : vector<32x512xf32>
    %dot_general3A_172 = tpu.matmul %get3A_169, %slice3A_170, %dot_general3A_171 {dimension_numbers = #tpu.dot_dimension_numbers<[1], [0], [0], [1], [0, 0, 1, 1], [], []>, transpose_lhs_hint = false} : vector<32x32xf32>, vector<32x512xf32>, vector<32x512xf32> -> vector<32x512xf32>
    %add3A_173 = arith.addf %add3A_164, %dot_general3A_172 : vector<32x512xf32>
    %get3A_174 = arith.constant 18 : index
    %get3A_175 = arith.constant 0 : index
    %get3A_176 = arith.constant 0 : index
    %get3A_177 = vector.load %arg6[%get3A_174, %get3A_175, %get3A_176] : memref<22x32x32xf32, #tpu.memory_space<vmem>>, vector<1x32x32xf32>
    %get3A_178 = vector.shape_cast %get3A_177 : vector<1x32x32xf32> to vector<32x32xf32>
    %slice3A_179 = vector.extract_strided_slice %dot_general3A_14 {offsets = [0, 9216], sizes = [32, 512], strides = [1, 1]} : vector<32x11264xf32> to vector<32x512xf32>
    %dot_general3A_180 = arith.constant dense<0.000000e+00> : vector<32x512xf32>
    %dot_general3A_181 = tpu.matmul %get3A_178, %slice3A_179, %dot_general3A_180 {dimension_numbers = #tpu.dot_dimension_numbers<[1], [0], [0], [1], [0, 0, 1, 1], [], []>, transpose_lhs_hint = false} : vector<32x32xf32>, vector<32x512xf32>, vector<32x512xf32> -> vector<32x512xf32>
    %add3A_182 = arith.addf %add3A_173, %dot_general3A_181 : vector<32x512xf32>
    %get3A_183 = arith.constant 19 : index
    %get3A_184 = arith.constant 0 : index
    %get3A_185 = arith.constant 0 : index
    %get3A_186 = vector.load %arg6[%get3A_183, %get3A_184, %get3A_185] : memref<22x32x32xf32, #tpu.memory_space<vmem>>, vector<1x32x32xf32>
    %get3A_187 = vector.shape_cast %get3A_186 : vector<1x32x32xf32> to vector<32x32xf32>
    %slice3A_188 = vector.extract_strided_slice %dot_general3A_14 {offsets = [0, 9728], sizes = [32, 512], strides = [1, 1]} : vector<32x11264xf32> to vector<32x512xf32>
    %dot_general3A_189 = arith.constant dense<0.000000e+00> : vector<32x512xf32>
    %dot_general3A_190 = tpu.matmul %get3A_187, %slice3A_188, %dot_general3A_189 {dimension_numbers = #tpu.dot_dimension_numbers<[1], [0], [0], [1], [0, 0, 1, 1], [], []>, transpose_lhs_hint = false} : vector<32x32xf32>, vector<32x512xf32>, vector<32x512xf32> -> vector<32x512xf32>
    %add3A_191 = arith.addf %add3A_182, %dot_general3A_190 : vector<32x512xf32>
    %get3A_192 = arith.constant 20 : index
    %get3A_193 = arith.constant 0 : index
    %get3A_194 = arith.constant 0 : index
    %get3A_195 = vector.load %arg6[%get3A_192, %get3A_193, %get3A_194] : memref<22x32x32xf32, #tpu.memory_space<vmem>>, vector<1x32x32xf32>
    %get3A_196 = vector.shape_cast %get3A_195 : vector<1x32x32xf32> to vector<32x32xf32>
    %slice3A_197 = vector.extract_strided_slice %dot_general3A_14 {offsets = [0, 10240], sizes = [32, 512], strides = [1, 1]} : vector<32x11264xf32> to vector<32x512xf32>
    %dot_general3A_198 = arith.constant dense<0.000000e+00> : vector<32x512xf32>
    %dot_general3A_199 = tpu.matmul %get3A_196, %slice3A_197, %dot_general3A_198 {dimension_numbers = #tpu.dot_dimension_numbers<[1], [0], [0], [1], [0, 0, 1, 1], [], []>, transpose_lhs_hint = false} : vector<32x32xf32>, vector<32x512xf32>, vector<32x512xf32> -> vector<32x512xf32>
    %add3A_200 = arith.addf %add3A_191, %dot_general3A_199 : vector<32x512xf32>
    %get3A_201 = arith.constant 21 : index
    %get3A_202 = arith.constant 0 : index
    %get3A_203 = arith.constant 0 : index
    %get3A_204 = vector.load %arg6[%get3A_201, %get3A_202, %get3A_203] : memref<22x32x32xf32, #tpu.memory_space<vmem>>, vector<1x32x32xf32>
    %get3A_205 = vector.shape_cast %get3A_204 : vector<1x32x32xf32> to vector<32x32xf32>
    %slice3A_206 = vector.extract_strided_slice %dot_general3A_14 {offsets = [0, 10752], sizes = [32, 512], strides = [1, 1]} : vector<32x11264xf32> to vector<32x512xf32>
    %dot_general3A_207 = arith.constant dense<0.000000e+00> : vector<32x512xf32>
    %dot_general3A_208 = tpu.matmul %get3A_205, %slice3A_206, %dot_general3A_207 {dimension_numbers = #tpu.dot_dimension_numbers<[1], [0], [0], [1], [0, 0, 1, 1], [], []>, transpose_lhs_hint = false} : vector<32x32xf32>, vector<32x512xf32>, vector<32x512xf32> -> vector<32x512xf32>
    %add3A_209 = arith.addf %add3A_200, %dot_general3A_208 : vector<32x512xf32>
    %get3A_210 = arith.constant 0 : index
    %get3A_211 = arith.constant 0 : index
    %get3A_212 = arith.constant 0 : index
    %get3A_213 = vector.load %arg6[%get3A_210, %get3A_211, %get3A_212] : memref<22x32x32xf32, #tpu.memory_space<vmem>>, vector<22x32x32xf32>
    %reduce_sum3A = arith.constant dense<0.000000e+00> : vector<32x32xf32>
    %reduce_sum3A_214 = vector.multi_reduction <add>, %get3A_213, %reduce_sum3A [0] : vector<22x32x32xf32> to vector<32x32xf32>
    %get3A_215 = arith.constant 0 : index
    %get3A_216 = arith.constant 0 : index
    %get3A_217 = vector.load %arg7[%get3A_215, %get3A_216] : memref<1x32xf32, #tpu.memory_space<vmem>>, vector<1x32xf32>
    %dot_general3A_218 = arith.constant dense<0.000000e+00> : vector<32x1xf32>
    %dot_general3A_219 = tpu.matmul %reduce_sum3A_214, %get3A_217, %dot_general3A_218 {dimension_numbers = #tpu.dot_dimension_numbers<[1], [1], [0], [0], [0, 0, 1, 0], [], []>, transpose_lhs_hint = false} : vector<32x32xf32>, vector<1x32xf32>, vector<32x1xf32> -> vector<32x1xf32>
    %add3A_220 = vector.broadcast %dot_general3A_219 : vector<32x1xf32> to vector<32x512xf32>
    %add3A_221 = arith.addf %add3A_209, %add3A_220 : vector<32x512xf32>
    %get3A_222 = arith.constant 0 : index
    %get3A_223 = arith.constant 0 : index
    %get3A_224 = vector.load %arg8[%get3A_222, %get3A_223] : memref<32x1xf32, #tpu.memory_space<vmem>>, vector<32x1xf32>
    %add3A_225 = vector.broadcast %get3A_224 : vector<32x1xf32> to vector<32x512xf32>
    %add3A_226 = arith.addf %add3A_221, %add3A_225 : vector<32x512xf32>
    %get3A_227 = arith.constant 0 : index
    %get3A_228 = arith.constant 0 : index
    %get3A_229 = vector.load %arg2[%get3A_227, %get3A_228] : memref<22x22xf32, #tpu.memory_space<vmem>>, vector<22x22xf32>
    %logistic3A = arith.negf %get3A_229 : vector<22x22xf32>
    %logistic3A_230 = math.exp %logistic3A : vector<22x22xf32>
    %logistic3A_231 = arith.constant 1.000000e+00 : f32
    %logistic3A_232 = vector.broadcast %logistic3A_231 : f32 to vector<22x22xf32>
    %logistic3A_233 = arith.addf %logistic3A_232, %logistic3A_230 : vector<22x22xf32>
    %logistic3A_234 = arith.divf %logistic3A_232, %logistic3A_233 : vector<22x22xf32>
    %get3A_235 = arith.constant 0 : index
    %get3A_236 = arith.constant 0 : index
    %get3A_237 = vector.load %arg3[%get3A_235, %get3A_236] : memref<22x22xf32, #tpu.memory_space<vmem>>, vector<22x22xf32>
    %logistic3A_238 = arith.negf %get3A_237 : vector<22x22xf32>
    %logistic3A_239 = math.exp %logistic3A_238 : vector<22x22xf32>
    %logistic3A_240 = arith.constant 1.000000e+00 : f32
    %logistic3A_241 = vector.broadcast %logistic3A_240 : f32 to vector<22x22xf32>
    %logistic3A_242 = arith.addf %logistic3A_241, %logistic3A_239 : vector<22x22xf32>
    %logistic3A_243 = arith.divf %logistic3A_241, %logistic3A_242 : vector<22x22xf32>
    %add3A_244 = arith.addf %logistic3A_234, %logistic3A_243 : vector<22x22xf32>
    %mul3A = arith.constant 5.000000e-01 : f32
    %mul3A_245 = vector.broadcast %mul3A : f32 to vector<22x22xf32>
    %mul3A_246 = arith.mulf %mul3A_245, %add3A_244 : vector<22x22xf32>
    %iota3A = tpu.iota {dimensions = array<i32: 0>} : vector<22x22xi32>
    %iota3A_247 = tpu.iota {dimensions = array<i32: 1>} : vector<22x22xi32>
    %eq3A = arith.cmpi eq, %iota3A, %iota3A_247 : vector<22x22xi32>
    %jit3A = arith.constant 0.000000e+00 : f32
    %broadcast_in_dim3A = vector.broadcast %jit3A : f32 to vector<22x22xf32>
    %select_n3A = arith.select %eq3A, %broadcast_in_dim3A, %mul3A_246 : vector<22x22xi1>, vector<22x22xf32>
    %reduce_sum3A_248 = arith.constant dense<0.000000e+00> : vector<22xf32>
    %reduce_sum3A_249 = vector.multi_reduction <add>, %select_n3A, %reduce_sum3A_248 [1] : vector<22x22xf32> to vector<22xf32>
    %broadcast_in_dim3A_250 = vector.shape_cast %reduce_sum3A_249 : vector<22xf32> to vector<22x1xf32>
    %reduce_sum3A_251 = arith.constant dense<0.000000e+00> : vector<22xf32>
    %reduce_sum3A_252 = vector.multi_reduction <add>, %select_n3A, %reduce_sum3A_251 [0] : vector<22x22xf32> to vector<22xf32>
    %broadcast_in_dim3A_253 = vector.shape_cast %reduce_sum3A_252 : vector<22xf32> to vector<1x22xf32>
    %gt3A = arith.constant 0.000000e+00 : f32
    %gt3A_254 = vector.broadcast %gt3A : f32 to vector<22x1xf32>
    %gt3A_255 = arith.cmpf ogt, %broadcast_in_dim3A_250, %gt3A_254 : vector<22x1xf32>
    %rsqrt3A = math.rsqrt %broadcast_in_dim3A_250 : vector<22x1xf32>
    %jit3A_256 = arith.constant 0.000000e+00 : f32
    %broadcast_in_dim3A_257 = vector.broadcast %jit3A_256 : f32 to vector<22x1xf32>
    %select_n3A_258 = arith.select %gt3A_255, %rsqrt3A, %broadcast_in_dim3A_257 : vector<22x1xi1>, vector<22x1xf32>
    %gt3A_259 = arith.constant 0.000000e+00 : f32
    %gt3A_260 = vector.broadcast %gt3A_259 : f32 to vector<1x22xf32>
    %gt3A_261 = arith.cmpf ogt, %broadcast_in_dim3A_253, %gt3A_260 : vector<1x22xf32>
    %rsqrt3A_262 = math.rsqrt %broadcast_in_dim3A_253 : vector<1x22xf32>
    %jit3A_263 = arith.constant 0.000000e+00 : f32
    %broadcast_in_dim3A_264 = vector.broadcast %jit3A_263 : f32 to vector<1x22xf32>
    %select_n3A_265 = arith.select %gt3A_261, %rsqrt3A_262, %broadcast_in_dim3A_264 : vector<1x22xi1>, vector<1x22xf32>
    %mul3A_266 = vector.broadcast %select_n3A_258 : vector<22x1xf32> to vector<22x22xf32>
    %mul3A_267 = arith.mulf %mul3A_266, %select_n3A : vector<22x22xf32>
    %mul3A_268 = vector.broadcast %select_n3A_265 : vector<1x22xf32> to vector<22x22xf32>
    %mul3A_269 = arith.mulf %mul3A_267, %mul3A_268 : vector<22x22xf32>
    %neg3A = arith.constant 0.000000e+00 : f32
    %neg3A_270 = vector.broadcast %neg3A : f32 to vector<22x22xf32>
    %neg3A_271 = arith.subf %neg3A_270, %mul3A_269 : vector<22x22xf32>
    %get3A_272 = arith.constant 0 : index
    %get3A_273 = arith.constant 0 : index
    %get3A_274 = vector.load %arg4[%get3A_272, %get3A_273] : memref<22x32xf32, #tpu.memory_space<vmem>>, vector<22x32xf32>
    %dot_general3A_275 = arith.constant dense<0.000000e+00> : vector<22x32xf32>
    %dot_general3A_276 = tpu.matmul %neg3A_271, %get3A_274, %dot_general3A_275 {dimension_numbers = #tpu.dot_dimension_numbers<[1], [0], [0], [1], [0, 0, 1, 1], [], []>, transpose_lhs_hint = false} : vector<22x22xf32>, vector<22x32xf32>, vector<22x32xf32> -> vector<22x32xf32>
    %dot_general3A_277 = arith.constant dense<0.000000e+00> : vector<22x32xf32>
    %dot_general3A_278 = tpu.matmul %neg3A_271, %dot_general3A_276, %dot_general3A_277 {dimension_numbers = #tpu.dot_dimension_numbers<[1], [0], [0], [1], [0, 0, 1, 1], [], []>, transpose_lhs_hint = false} : vector<22x22xf32>, vector<22x32xf32>, vector<22x32xf32> -> vector<22x32xf32>
    %get3A_279 = arith.constant 1 : index
    %get3A_280 = arith.constant 0 : index
    %get3A_281 = arith.constant 0 : index
    %get3A_282 = vector.load %arg5[%get3A_279, %get3A_280, %get3A_281] : memref<3x32x32xf32, #tpu.memory_space<vmem>>, vector<1x32x32xf32>
    %get3A_283 = vector.shape_cast %get3A_282 : vector<1x32x32xf32> to vector<32x32xf32>
    %dot_general3A_284 = arith.constant dense<0.000000e+00> : vector<22x32xf32>
    %dot_general3A_285 = tpu.matmul %dot_general3A_276, %get3A_283, %dot_general3A_284 {dimension_numbers = #tpu.dot_dimension_numbers<[1], [1], [0], [0], [0, 0, 1, 0], [], []>, transpose_lhs_hint = false} : vector<22x32xf32>, vector<32x32xf32>, vector<22x32xf32> -> vector<22x32xf32>
    %get3A_286 = arith.constant 2 : index
    %get3A_287 = arith.constant 0 : index
    %get3A_288 = arith.constant 0 : index
    %get3A_289 = vector.load %arg5[%get3A_286, %get3A_287, %get3A_288] : memref<3x32x32xf32, #tpu.memory_space<vmem>>, vector<1x32x32xf32>
    %get3A_290 = vector.shape_cast %get3A_289 : vector<1x32x32xf32> to vector<32x32xf32>
    %dot_general3A_291 = arith.constant dense<0.000000e+00> : vector<22x32xf32>
    %dot_general3A_292 = tpu.matmul %dot_general3A_278, %get3A_290, %dot_general3A_291 {dimension_numbers = #tpu.dot_dimension_numbers<[1], [1], [0], [0], [0, 0, 1, 0], [], []>, transpose_lhs_hint = false} : vector<22x32xf32>, vector<32x32xf32>, vector<22x32xf32> -> vector<22x32xf32>
    %mul3A_293 = arith.constant 2.000000e+00 : f32
    %mul3A_294 = vector.broadcast %mul3A_293 : f32 to vector<22x32xf32>
    %mul3A_295 = arith.mulf %mul3A_294, %dot_general3A_292 : vector<22x32xf32>
    %add3A_296 = arith.addf %dot_general3A_285, %mul3A_295 : vector<22x32xf32>
    %get3A_297 = arith.constant 0 : index
    %get3A_298 = arith.constant 0 : index
    %get3A_299 = arith.constant 0 : index
    %get3A_300 = vector.load %arg6[%get3A_297, %get3A_298, %get3A_299] : memref<22x32x32xf32, #tpu.memory_space<vmem>>, vector<22x32x32xf32>
    %broadcast_in_dim3A_301 = vector.shape_cast %add3A_296 : vector<22x32xf32> to vector<22x1x32xf32>
    %mul3A_302 = vector.broadcast %broadcast_in_dim3A_301 : vector<22x1x32xf32> to vector<22x32x32xf32>
    %mul3A_303 = arith.mulf %get3A_300, %mul3A_302 : vector<22x32x32xf32>
    %reduce_sum3A_304 = arith.constant dense<0.000000e+00> : vector<32x32xf32>
    %reduce_sum3A_305 = vector.multi_reduction <add>, %mul3A_303, %reduce_sum3A_304 [0] : vector<22x32x32xf32> to vector<32x32xf32>
    %reduce_sum3A_306 = arith.constant dense<0.000000e+00> : vector<32xf32>
    %reduce_sum3A_307 = vector.multi_reduction <add>, %reduce_sum3A_305, %reduce_sum3A_306 [1] : vector<32x32xf32> to vector<32xf32>
    %broadcast_in_dim3A_308 = vector.shape_cast %reduce_sum3A_307 : vector<32xf32> to vector<32x1xf32>
    %iota3A_309 = tpu.iota {dimensions = array<i32: 1>} : vector<32x512xi32>
    %eq3A_310 = arith.constant 0 : i32
    %eq3A_311 = vector.broadcast %eq3A_310 : i32 to vector<32x512xi32>
    %eq3A_312 = arith.cmpi eq, %iota3A_309, %eq3A_311 : vector<32x512xi32>
    %eq3A_313 = arith.constant 0 : i32
    %eq3A_314 = arith.cmpi eq, %arg0, %eq3A_313 : i32
    %and3A = vector.broadcast %eq3A_314 : i1 to vector<32x512xi1>
    %and3A_315 = arith.andi %eq3A_312, %and3A : vector<32x512xi1>
    %jit3A_316 = arith.constant 0.000000e+00 : f32
    %broadcast_in_dim3A_317 = vector.shape_cast %broadcast_in_dim3A_308 : vector<32x1xf32> to vector<32x1xf32>
    %broadcast_in_dim3A_318 = vector.broadcast %broadcast_in_dim3A_317 : vector<32x1xf32> to vector<32x512xf32>
    %broadcast_in_dim3A_319 = vector.broadcast %jit3A_316 : f32 to vector<32x512xf32>
    %select_n3A_320 = arith.select %and3A_315, %broadcast_in_dim3A_318, %broadcast_in_dim3A_319 : vector<32x512xi1>, vector<32x512xf32>
    %add3A_321 = arith.addf %add3A_226, %select_n3A_320 : vector<32x512xf32>
    %swap3A = arith.constant 0 : index
    %swap3A_322 = arith.constant 0 : index
    %swap3A_323 = arith.constant 0 : index
    %swap3A_324 = vector.load %arg9[%swap3A, %swap3A_322, %swap3A_323] : memref<1x32x512xf32, #tpu.memory_space<vmem>>, vector<1x32x512xf32>
    %swap3A_325 = vector.shape_cast %swap3A_324 : vector<1x32x512xf32> to vector<32x512xf32>
    %swap3A_326 = vector.shape_cast %add3A_321 : vector<32x512xf32> to vector<1x32x512xf32>
    tpu.vector_store %arg9[%swap3A, %swap3A_322, %swap3A_323], %swap3A_326 {strides = array<i32>} : memref<1x32x512xf32, #tpu.memory_space<vmem>>, vector<1x32x512xf32>,
    return
  }
  func.func @transform_0(%arg0: i32) -> (i32, i32, i32) {
    %c0_i32 = arith.constant 0 : i32
    %c0_i32_0 = arith.constant 0 : i32
    %c0_i32_1 = arith.constant 0 : i32
    return %arg0, %c0_i32, %c0_i32_0 : i32, i32, i32
  }
  func.func @transform_1(%arg0: i32) -> (i32, i32) {
    %c0_i32 = arith.constant 0 : i32
    %c0_i32_0 = arith.constant 0 : i32
    %c0_i32_1 = arith.constant 0 : i32
    return %c0_i32, %c0_i32_0 : i32, i32
  }
  func.func @transform_2(%arg0: i32) -> (i32, i32) {
    %c0_i32 = arith.constant 0 : i32
    %c0_i32_0 = arith.constant 0 : i32
    %c0_i32_1 = arith.constant 0 : i32
    return %c0_i32, %c0_i32_0 : i32, i32
  }
  func.func @transform_3(%arg0: i32) -> (i32, i32) {
    %c0_i32 = arith.constant 0 : i32
    %c0_i32_0 = arith.constant 0 : i32
    %c0_i32_1 = arith.constant 0 : i32
    return %c0_i32, %c0_i32_0 : i32, i32
  }
  func.func @transform_4(%arg0: i32) -> (i32, i32, i32) {
    %c0_i32 = arith.constant 0 : i32
    %c0_i32_0 = arith.constant 0 : i32
    %c0_i32_1 = arith.constant 0 : i32
    %c0_i32_2 = arith.constant 0 : i32
    return %c0_i32, %c0_i32_0, %c0_i32_1 : i32, i32, i32
  }
  func.func @transform_5(%arg0: i32) -> (i32, i32, i32) {
    %c0_i32 = arith.constant 0 : i32
    %c0_i32_0 = arith.constant 0 : i32
    %c0_i32_1 = arith.constant 0 : i32
    %c0_i32_2 = arith.constant 0 : i32
    return %c0_i32, %c0_i32_0, %c0_i32_1 : i32, i32, i32
  }
  func.func @transform_6(%arg0: i32) -> (i32, i32) {
    %c0_i32 = arith.constant 0 : i32
    %c0_i32_0 = arith.constant 0 : i32
    %c0_i32_1 = arith.constant 0 : i32
    return %c0_i32, %c0_i32_0 : i32, i32
  }
  func.func @transform_7(%arg0: i32) -> (i32, i32) {
    %c0_i32 = arith.constant 0 : i32
    %c0_i32_0 = arith.constant 0 : i32
    %c0_i32_1 = arith.constant 0 : i32
    return %c0_i32, %c0_i32_0 : i32, i32
  }
  func.func @transform_8(%arg0: i32) -> (i32, i32, i32) {
    %c0_i32 = arith.constant 0 : i32
    %c0_i32_0 = arith.constant 0 : i32
    %c0_i32_1 = arith.constant 0 : i32
    return %arg0, %c0_i32, %c0_i32_0 : i32, i32, i32
  }
}

</mosaic_0001>

<sc_bundles>
// kernel: sparse-core-data-format-call.cloned.1.call-start
scs
called_computation_lowered:
.L_overlay_start_0:
0x0: {  	s2 =	sld [smem:$0x3FD9]  }
0x1: {  	s3 =	sld [smem:$0x3FFE];
	_ =	sdelay $0x1  }
0x2: {  	s1 =	srdreg.scid  }
0x3: {  	s0 =	sand.u32 $0x1, s1  }
0x4: {  	s18 =	sshll.u32 s0, $0xA;
	s2 =	sadd.s32 s3, s2  }
0x5: {  	s2 =	sadd.s32 s2, s18  }
0x6: {  	[smem:$0x3FC2] =	sst s2  }
0x7: {  	_ = 	snop  }
0x8: {  	s2 =	sld [smem:$0x3FC9];
	(tm) =	ssettm $0x1  }
0x9: {  	s19 =	sld [smem:$0x3FFB];
	_ =	sdelay $0x3  }
0xa: {  	_ =	strace s19  }
0xb: {  	s3 =	sld [smem:$0x3FFC];
	_ =	sdelay $0x3  }
0xc: {  	_ =	strace s3  }
0xd: {  	s3 =	sld [smem:$0x3FFD];
	_ =	sdelay $0x3  }
0xe: {  	_ =	strace s3  }
0xf: {  	_ =	strace $0x8FFFFFFF  }
0x10: {  	s20 =	sld [smem:$0x3FDB];
	_ =	sdelay $0x1  }
0x11: {  	s4 =	simm.s32 $_scs_section_size  }
0x12: {  	s5 =	simm.s32 $_size__tile_overlayer_lowered;
	s6 =	simm.s32 $_tile_overlayer_lowered  }
0x13: {  	s23 =	simm.s32 $0x1BFF;
	s22 =	sshll.u32 s6, $0x1;
	s3 =	sadd.s32 s4, s20  }
0x14: {  	s7 =	simm.s32 $0x0;
	s21 =	sshll.u32 s5, $0x1;
	s5 =	sadd.s32 s22, s3  }
0x15: {  	[timem:s7], [sflag:s23] =	dma.local [hbm:s5], s21  }
0x16: {  	_ =	swait.ge [sflag:s23], s21  }
0x17: {  	s4 =	ssub.s32 $0x0, s21;
	[sflag:s23] =	ssyncset.done $0x0  }
0x18: {  	[sflag:s23] =	ssyncadd.s32 s4;
	_ =	sdelay $0x1  }
0x19: {  	s24 =	simm.s32 $0x1B8B  }
0x1a: {  	_ =	swait.ge [sflag:s24], $0x1  }
0x1b: {  	[sflag:s24] =	ssyncset.done $0x0  }
0x1c: {  	s26 =	simm.s32 $0x1B8E;
	s25 =	sld [smem:$0x3FFE];
	[sflag:s24] =	ssyncadd.s32 $0xFFFFFFFF  }
0x1d: {  	s27 =	simm.s32 $execute0_lowered;
	[smem:$0x3FD2] =	sst s26  }
0x1e: {  	s5 =	sshll.u32 s27, $0x1;
	_ =	strace $0x80000046;
	[dreg:$0x1] =	wrdreg $0xFFFFFFFF  }
0x1f: {  	s28 =	simm.s32 $_size_execute0_lowered;
	s3 =	sadd.s32 s3, s5;
	[dreg:$0x0] =	wrdreg $0x0  }
0x20: {  	s5 =	sshll.u32 s28, $0x1;
	[dreg:$0x2] =	wrdreg s3  }
0x21: {  	[dreg:$0x3] =	wrdreg s5  }
0x22: {  	[dreg:$0x4] =	wrdreg $0xC0  }
0x23: {  	_ =	task [dreg:s7], $0x5FFFF  }
0x24: {  	[dreg:$0x1] =	wrdreg $0xFFFFFFFF  }
0x25: {  	[dreg:$0x0] =	wrdreg $0x60  }
0x26: {  	[dreg:$0x2] =	wrdreg s2  }
0x27: {  	[dreg:$0x3] =	wrdreg s25  }
0x28: {  	[dreg:$0x4] =	wrdreg $0x9  }
0x29: {  	_ =	task.clear_ibuf [dreg:s7], $0x5FFFF;
	_ =	strace $0x90000046  }
0x2a: {  	s29 =	simm.s32 $0x9;
	_ =	strace $0x80000048  }
0x2b: {  	_ =	swait.ge [sflag:s29], $0x1  }
0x2c: {  	[sflag:s29] =	ssyncadd.s32 $0xFFFFFFFF  }
0x2d: {  	_ =	strace $0x90000048  }
0x2e: {  	_ =	sfence  }
0x2f: {  	s30 =	sld [smem:$0x0];
	_ =	sdelay $0x2  }
0x30: {  	s31 =	sshll.u32 s1, $0xD;
	s1 =	sshrl.u32 s1, $0x2  }
0x31: {  	s3 =	sand.u32 $0x4000, s31;
	s1 =	sadd.s32 s1, s30  }
0x32: {  	s0 =	sor.u32 s3, s0;
	s1 =	sshll.u32 s1, $0x11  }
0x33: {  	s0 =	sor.u32 s1, s0  }
0x34: {  	s0 =	sadd.s32 $0x8F2B, s0  }
0x35: {  	[sflag:s0] =	ssyncadd.remote.s32 $0x1  }
0x36: {  	_ =	sfence.sel $0xFFFF  }
0x37: {  	[dreg:$0x0] =	wrdreg $0xFFFFFFFF;
	(pc) =	sbr.abs _section_cstart, $3  }
0x38: {  	[dreg:$0x1] =	wrdreg $0xFFFFFFFF  }
0x39: {  	_ =	task.clear_ibuf [dreg:s7], $0x2FFFF;
	_ =	strace $0x9FFFFFFF  }
0x3a: {  	(tm) =	ssettm $0x7FFFFFFF  }
0x3b: {  	_ =	shalt  }
tec
execute0_lowered:
.L_overlay_start_1:
0x0: {  	(tag) =	ssettag $0x1  }
0x1: {  	s2 =	rddreg [dreg:$0x0]  }
0x2: {  	s1 =	rddreg [dreg:$0x1]  }
0x3: {  	s0 =	rddreg [dreg:$0x2];
	_ =	strace $0x80000047;
	s4 =	srdreg.scid  }
0x4: {  	s6 =	simm.s32 $0x2;
	s11 =	simm.s32 $0x0;
	p0 =	por $0x0, $0x0  }
.Ltmp0:
0x5: {  	s7 =	simm.s32 $0x16000;
	s12 =	simm.s32 $0x0;
	(pc) =	sbr.rel .LBB1_1-.Ltmp0, $4  }
0x6: {  	s9 =	simm.s32 $0x0;
	s3 =	sadd.s32 $0xE00, s1;
	s5 =	sshll.u32 s4, $0x4  }
0x7: {  	s1 =	stileid.u32;
	s4 =	simm.s32 $0x1;
	s5 =	sand.u32 $0x10, s5  }
0x8: {  	s8 =	simm.s32 $0x0;
	[sflag:s4] =	ssyncpa.u1 $0x0;
	s5 =	sor.u32 s1, s5  }
0x9: {  	[sflag:s6] =	ssyncpa.u1 $0x0;
	s6 =	simm.s32 $0x1000;
	s10 =	smov.u32 s5  }
.LBB1_7:
0xa: {  	s13 =	sadd.s32 $0x1, s9  }
0xb: {  	s11 =	sadd.s32 $0x20, s10;
	s15 =	smov.u32 s10;
	p2 =	sgt.s32 s13, $0x15  }
0xc: {  	p1 =	slt.u32 s8, $0x2;
	s15 =	smov.u32 @p2 s11  }
0xd: {  	s8 =	sadd.s32 $0x1, s8;
	s13 =	simm.s32 @p2 $0x0;
	p2 =	sgt.s32 s15, $0x3F  }
0xe: {  	s15 =	smov.u32 @p2 s5;
	p2 =	sne.s32 s8, $0x2E  }
.Ltmp1:
0xf: {  	_ = 	snop;
	(pc) =	sbr.rel @!p2 .LBB1_8-.Ltmp1, $4  }
0x10: {  	s14 =	simm.s32 @!p1 $0x2  }
0x11: {  	s12 =	smov.u32 s10;
	_ =	swait.ge @!p1 [sflag:s14], $0x4000  }
0x12: {  	p0 =	por !p0, !p0;
	s11 =	smov.u32 s9;
	[sflag:s14] =	ssyncset.done @!p1 $0x0  }
0x13: {  	s9 =	smov.u32 s13;
	[sflag:s14] =	ssyncadd.s32 @!p1 $0xFFFFC000;
	s10 =	smov.u32 s15  }
.LBB1_1:
0x14: {  	p1 =	sgt.u32 s8, $0x2B  }
0x15: {  	s13 =	smul.u32 @!p1 $0xB000, s10  }
0x16: {  	s14 =	sxor.u32 @!p1 $0xFFFFFFFF, s8  }
0x17: {  	s15 =	sshll.u32 @!p1 s9, $0xB;
	s14 =	sshll.u32 @!p1 s14, $0xE;
	s13 =	sadd.s32 @!p1 s2, s13  }
0x18: {  	s14 =	sand.u32 @!p1 $0x4000, s14;
	s13 =	sadd.s32 @!p1 s15, s13;
	s15 =	simm.s32 @!p1 $0x0  }
0x19: {  	[tilespmem:s14], [sflag:$0x1] =	stream.linear.gather @!p1 [hbm4b:s13+s15], $0x4000, $0x38;
	[tilespmem:$0x10000] =	vst v63  }
0x1a: {  	p1 =	seq.s32 s8, $0x0  }
0x1b: {  	p2 =	seq.s32 @!p1 s8, $0x2D  }
0x1c: {  	p1 =	por p1, p2  }
.Ltmp2:
0x1d: {  	_ = 	snop;
	(pc) =	sbr.rel @p1 .LBB1_7-.Ltmp2, $1  }
0x1e: {  	_ =	sdelay $0x3  }
0x1f: {  	s13 =	simm.s32 $0x1;
	_ =	swait.ge [sflag:s4], $0x4000;
	s16 =	sshll.u32 s8, $0xE  }
0x20: {  	s13 =	simm.s32 @!p0 $0x0;
	[sflag:s4] =	ssyncset.done $0x0;
	s31 =	sand.u32 $0x4000, s16  }
0x21: {  	s16 =	simm.s32 $0x0;
	s14 =	sshll.u32 s13, $0xE;
	[sflag:s4] =	ssyncadd.s32 $0xFFFFC000  }
0x22: {  	s13 =	sor.u32 $0x440, s14;
	s15 =	sor.u32 $0x8C70, s14;
	s14 =	sor.u32 $0x8000, s31  }
.LBB1_3:
0x23: {  	v1 =	vmov s13;
	_ =	sdelay $0x3  }
0x24: {  	s17 =	simm.s32 $0xFFFFFC00  }
0x25: {  	v2 =	vld.idx.msk [tilespmem:v1+s17+$0xC30 ss:$0x1], $0xffff  }
0x26: {  	v0 =	vmov s15;
	v3 =	vld.idx.msk [tilespmem:v1+s17+$0xFFFFFFC0 ss:$0x1], $0xffff  }
0x27: {  	v4 =	vld.idx.msk [tilespmem:v1+s17+$0xFFFFFFD0 ss:$0x1], $0xffff  }
0x28: {  	v5 =	vld.idx.msk [tilespmem:v1+s17+$0xFFFFFFE0 ss:$0x1], $0xffff  }
0x29: {  	v6 =	vld.idx.msk [tilespmem:v1+s17+$0xFFFFFFF0 ss:$0x1], $0xffff  }
0x2a: {  	v7 =	vld.idx.msk [tilespmem:v1+s17+$0x0 ss:$0x1], $0xffff  }
0x2b: {  	v8 =	vld.idx.msk [tilespmem:v1+s17+$0x10 ss:$0x1], $0xffff;
	[tilespmem:v0+s17+$0x400 ss:$0x1] =	vst.idx.msk $0xffff, v2  }
0x2c: {  	[tilespmem:v0+s17+$0xFFFFF790 ss:$0x1] =	vst.idx.msk $0xffff, v3;
	v2 =	vld.idx.msk [tilespmem:v1+s17+$0x20 ss:$0x1], $0xffff  }
0x2d: {  	[tilespmem:v0+s17+$0xFFFFF7A0 ss:$0x1] =	vst.idx.msk $0xffff, v4;
	v3 =	vld.idx.msk [tilespmem:v1+s17+$0x30 ss:$0x1], $0xffff  }
0x2e: {  	[tilespmem:v0+s17+$0xFFFFF7B0 ss:$0x1] =	vst.idx.msk $0xffff, v5;
	v4 =	vld.idx.msk [tilespmem:v1+s17+$0x3C0 ss:$0x1], $0xffff  }
0x2f: {  	[tilespmem:v0+s17+$0xFFFFF7C0 ss:$0x1] =	vst.idx.msk $0xffff, v6;
	v5 =	vld.idx.msk [tilespmem:v1+s17+$0x3D0 ss:$0x1], $0xffff  }
0x30: {  	[tilespmem:v0+s17+$0xFFFFF7D0 ss:$0x1] =	vst.idx.msk $0xffff, v7;
	v6 =	vld.idx.msk [tilespmem:v1+s17+$0x3E0 ss:$0x1], $0xffff  }
0x31: {  	[tilespmem:v0+s17+$0xFFFFF7E0 ss:$0x1] =	vst.idx.msk $0xffff, v8;
	v7 =	vld.idx.msk [tilespmem:v1+s17+$0x3F0 ss:$0x1], $0xffff  }
0x32: {  	v8 =	vld.idx.msk [tilespmem:v1+s17+$0xBC0 ss:$0x1], $0xffff;
	[tilespmem:v0+s17+$0xFFFFF7F0 ss:$0x1] =	vst.idx.msk $0xffff, v2  }
0x33: {  	v2 =	vld.idx.msk [tilespmem:v1+s17+$0x400 ss:$0x1], $0xffff;
	[tilespmem:v0+s17+$0xFFFFF800 ss:$0x1] =	vst.idx.msk $0xffff, v3  }
0x34: {  	v3 =	vld.idx.msk [tilespmem:v1+s17+$0x410 ss:$0x1], $0xffff;
	[tilespmem:v0+s17+$0xFFFFFB90 ss:$0x1] =	vst.idx.msk $0xffff, v4  }
0x35: {  	v4 =	vld.idx.msk [tilespmem:v1+s17+$0x420 ss:$0x1], $0xffff;
	[tilespmem:v0+s17+$0xFFFFFBA0 ss:$0x1] =	vst.idx.msk $0xffff, v5  }
0x36: {  	v5 =	vld.idx.msk [tilespmem:v1+s17+$0x430 ss:$0x1], $0xffff;
	[tilespmem:v0+s17+$0xFFFFFBB0 ss:$0x1] =	vst.idx.msk $0xffff, v6  }
0x37: {  	v6 =	vld.idx.msk [tilespmem:v1+s17+$0x7C0 ss:$0x1], $0xffff;
	[tilespmem:v0+s17+$0xFFFFFBC0 ss:$0x1] =	vst.idx.msk $0xffff, v7  }
0x38: {  	v7 =	vld.idx.msk [tilespmem:v1+s17+$0x7D0 ss:$0x1], $0xffff;
	[tilespmem:v0+s17+$0x390 ss:$0x1] =	vst.idx.msk $0xffff, v8  }
0x39: {  	[tilespmem:v0+s17+$0xFFFFFBD0 ss:$0x1] =	vst.idx.msk $0xffff, v2;
	v2 =	vld.idx.msk [tilespmem:v1+s17+$0x7E0 ss:$0x1], $0xffff  }
0x3a: {  	[tilespmem:v0+s17+$0xFFFFFBE0 ss:$0x1] =	vst.idx.msk $0xffff, v3;
	v3 =	vld.idx.msk [tilespmem:v1+s17+$0x7F0 ss:$0x1], $0xffff  }
0x3b: {  	[tilespmem:v0+s17+$0xFFFFFBF0 ss:$0x1] =	vst.idx.msk $0xffff, v4;
	v4 =	vld.idx.msk [tilespmem:v1+s17+$0x800 ss:$0x1], $0xffff  }
0x3c: {  	[tilespmem:v0+s17+$0xFFFFFC00 ss:$0x1] =	vst.idx.msk $0xffff, v5;
	v5 =	vld.idx.msk [tilespmem:v1+s17+$0x810 ss:$0x1], $0xffff  }
0x3d: {  	[tilespmem:v0+s17+$0xFFFFFF90 ss:$0x1] =	vst.idx.msk $0xffff, v6;
	v6 =	vld.idx.msk [tilespmem:v1+s17+$0x820 ss:$0x1], $0xffff  }
0x3e: {  	[tilespmem:v0+s17+$0xFFFFFFA0 ss:$0x1] =	vst.idx.msk $0xffff, v7;
	v7 =	vld.idx.msk [tilespmem:v1+s17+$0x830 ss:$0x1], $0xffff  }
0x3f: {  	[tilespmem:v0+s17+$0xFFFFFFB0 ss:$0x1] =	vst.idx.msk $0xffff, v2;
	v2 =	vld.idx.msk [tilespmem:v1+s17+$0xBD0 ss:$0x1], $0xffff  }
0x40: {  	[tilespmem:v0+s17+$0xFFFFFFC0 ss:$0x1] =	vst.idx.msk $0xffff, v3;
	v3 =	vld.idx.msk [tilespmem:v1+s17+$0xBE0 ss:$0x1], $0xffff  }
0x41: {  	[tilespmem:v0+s17+$0xFFFFFFD0 ss:$0x1] =	vst.idx.msk $0xffff, v4;
	v4 =	vld.idx.msk [tilespmem:v1+s17+$0xBF0 ss:$0x1], $0xffff  }
0x42: {  	[tilespmem:v0+s17+$0xFFFFFFE0 ss:$0x1] =	vst.idx.msk $0xffff, v5;
	v5 =	vld.idx.msk [tilespmem:v1+s17+$0xC00 ss:$0x1], $0xffff  }
0x43: {  	[tilespmem:v0+s17+$0xFFFFFFF0 ss:$0x1] =	vst.idx.msk $0xffff, v6;
	v6 =	vld.idx.msk [tilespmem:v1+s17+$0xC10 ss:$0x1], $0xffff  }
0x44: {  	s19 =	simm.s32 $0xFFFFFC80;
	s18 =	simm.s32 $0xFFFFF400;
	[tilespmem:v0+s17+$0x0 ss:$0x1] =	vst.idx.msk $0xffff, v7;
	v7 =	vld.idx.msk [tilespmem:v1+s17+$0xC20 ss:$0x1], $0xffff  }
.LBB1_4:
0x45: {  	p1 =	sne.s32 s18, $0xFFFFFE00;
	v8 =	vld.idx.msk [tilespmem:v1+s19+$0xC30 ss:$0x1], $0xffff;
	[tilespmem:v0+s17+$0x3A0 ss:$0x1] =	vst.idx.msk $0xffff, v2  }
0x46: {  	v2 =	vld.idx.msk [tilespmem:v1+s19+$0xFFFFFFC0 ss:$0x1], $0xffff;
	[tilespmem:v0+s17+$0x3B0 ss:$0x1] =	vst.idx.msk $0xffff, v3  }
0x47: {  	v3 =	vld.idx.msk [tilespmem:v1+s19+$0xFFFFFFD0 ss:$0x1], $0xffff;
	[tilespmem:v0+s17+$0x3C0 ss:$0x1] =	vst.idx.msk $0xffff, v4  }
0x48: {  	v4 =	vld.idx.msk [tilespmem:v1+s19+$0xFFFFFFE0 ss:$0x1], $0xffff;
	[tilespmem:v0+s17+$0x3D0 ss:$0x1] =	vst.idx.msk $0xffff, v5  }
0x49: {  	v5 =	vld.idx.msk [tilespmem:v1+s19+$0xFFFFFFF0 ss:$0x1], $0xffff;
	[tilespmem:v0+s17+$0x3E0 ss:$0x1] =	vst.idx.msk $0xffff, v6  }
0x4a: {  	v6 =	vld.idx.msk [tilespmem:v1+s19+$0x0 ss:$0x1], $0xffff;
	[tilespmem:v0+s17+$0x3F0 ss:$0x1] =	vst.idx.msk $0xffff, v7;
	s17 =	smov.u32 s19  }
0x4b: {  	v7 =	vld.idx.msk [tilespmem:v1+s17+$0x10 ss:$0x1], $0xffff;
	[tilespmem:v0+s17+$0x400 ss:$0x1] =	vst.idx.msk $0xffff, v8  }
0x4c: {  	[tilespmem:v0+s17+$0xFFFFF790 ss:$0x1] =	vst.idx.msk $0xffff, v2;
	v2 =	vld.idx.msk [tilespmem:v1+s17+$0x20 ss:$0x1], $0xffff  }
0x4d: {  	[tilespmem:v0+s17+$0xFFFFF7A0 ss:$0x1] =	vst.idx.msk $0xffff, v3;
	v3 =	vld.idx.msk [tilespmem:v1+s17+$0x30 ss:$0x1], $0xffff  }
0x4e: {  	[tilespmem:v0+s17+$0xFFFFF7B0 ss:$0x1] =	vst.idx.msk $0xffff, v4;
	v4 =	vld.idx.msk [tilespmem:v1+s17+$0x3C0 ss:$0x1], $0xffff  }
0x4f: {  	[tilespmem:v0+s17+$0xFFFFF7C0 ss:$0x1] =	vst.idx.msk $0xffff, v5;
	v5 =	vld.idx.msk [tilespmem:v1+s17+$0x3D0 ss:$0x1], $0xffff  }
0x50: {  	[tilespmem:v0+s17+$0xFFFFF7D0 ss:$0x1] =	vst.idx.msk $0xffff, v6;
	v6 =	vld.idx.msk [tilespmem:v1+s17+$0x3E0 ss:$0x1], $0xffff  }
0x51: {  	[tilespmem:v0+s17+$0xFFFFF7E0 ss:$0x1] =	vst.idx.msk $0xffff, v7;
	v7 =	vld.idx.msk [tilespmem:v1+s17+$0x3F0 ss:$0x1], $0xffff  }
0x52: {  	[tilespmem:v0+s17+$0xFFFFF7F0 ss:$0x1] =	vst.idx.msk $0xffff, v2;
	v2 =	vld.idx.msk [tilespmem:v1+s17+$0x400 ss:$0x1], $0xffff  }
0x53: {  	[tilespmem:v0+s17+$0xFFFFF800 ss:$0x1] =	vst.idx.msk $0xffff, v3;
	v3 =	vld.idx.msk [tilespmem:v1+s17+$0x410 ss:$0x1], $0xffff  }
0x54: {  	[tilespmem:v0+s17+$0xFFFFFB90 ss:$0x1] =	vst.idx.msk $0xffff, v4;
	v4 =	vld.idx.msk [tilespmem:v1+s17+$0x420 ss:$0x1], $0xffff  }
0x55: {  	[tilespmem:v0+s17+$0xFFFFFBA0 ss:$0x1] =	vst.idx.msk $0xffff, v5;
	v5 =	vld.idx.msk [tilespmem:v1+s17+$0x430 ss:$0x1], $0xffff  }
0x56: {  	[tilespmem:v0+s17+$0xFFFFFBB0 ss:$0x1] =	vst.idx.msk $0xffff, v6;
	v6 =	vld.idx.msk [tilespmem:v1+s17+$0x7C0 ss:$0x1], $0xffff  }
0x57: {  	[tilespmem:v0+s17+$0xFFFFFBC0 ss:$0x1] =	vst.idx.msk $0xffff, v7;
	v7 =	vld.idx.msk [tilespmem:v1+s17+$0x7D0 ss:$0x1], $0xffff  }
0x58: {  	[tilespmem:v0+s17+$0xFFFFFBD0 ss:$0x1] =	vst.idx.msk $0xffff, v2;
	v2 =	vld.idx.msk [tilespmem:v1+s17+$0x7E0 ss:$0x1], $0xffff  }
0x59: {  	[tilespmem:v0+s17+$0xFFFFFBE0 ss:$0x1] =	vst.idx.msk $0xffff, v3;
	v3 =	vld.idx.msk [tilespmem:v1+s17+$0x7F0 ss:$0x1], $0xffff  }
0x5a: {  	[tilespmem:v0+s17+$0xFFFFFBF0 ss:$0x1] =	vst.idx.msk $0xffff, v4;
	v4 =	vld.idx.msk [tilespmem:v1+s17+$0x800 ss:$0x1], $0xffff  }
0x5b: {  	[tilespmem:v0+s17+$0xFFFFFC00 ss:$0x1] =	vst.idx.msk $0xffff, v5;
	v5 =	vld.idx.msk [tilespmem:v1+s17+$0x810 ss:$0x1], $0xffff  }
0x5c: {  	[tilespmem:v0+s17+$0xFFFFFF90 ss:$0x1] =	vst.idx.msk $0xffff, v6;
	v6 =	vld.idx.msk [tilespmem:v1+s17+$0x820 ss:$0x1], $0xffff  }
0x5d: {  	[tilespmem:v0+s17+$0xFFFFFFA0 ss:$0x1] =	vst.idx.msk $0xffff, v7;
	v7 =	vld.idx.msk [tilespmem:v1+s17+$0x830 ss:$0x1], $0xffff  }
0x5e: {  	[tilespmem:v0+s17+$0xFFFFFFB0 ss:$0x1] =	vst.idx.msk $0xffff, v2;
	v8 =	vld.idx.msk [tilespmem:v1+s17+$0xBC0 ss:$0x1], $0xffff  }
0x5f: {  	[tilespmem:v0+s17+$0xFFFFFFC0 ss:$0x1] =	vst.idx.msk $0xffff, v3;
	v2 =	vld.idx.msk [tilespmem:v1+s17+$0xBD0 ss:$0x1], $0xffff  }
.Ltmp3:
0x60: {  	[tilespmem:v0+s17+$0xFFFFFFD0 ss:$0x1] =	vst.idx.msk $0xffff, v4;
	v3 =	vld.idx.msk [tilespmem:v1+s17+$0xBE0 ss:$0x1], $0xffff;
	(pc) =	sbr.rel @p1 .LBB1_4-.Ltmp3, $4  }
0x61: {  	[tilespmem:v0+s17+$0xFFFFFFE0 ss:$0x1] =	vst.idx.msk $0xffff, v5;
	v4 =	vld.idx.msk [tilespmem:v1+s17+$0xBF0 ss:$0x1], $0xffff  }
0x62: {  	[tilespmem:v0+s17+$0xFFFFFFF0 ss:$0x1] =	vst.idx.msk $0xffff, v6;
	v5 =	vld.idx.msk [tilespmem:v1+s17+$0xC00 ss:$0x1], $0xffff  }
0x63: {  	[tilespmem:v0+s17+$0x0 ss:$0x1] =	vst.idx.msk $0xffff, v7;
	v6 =	vld.idx.msk [tilespmem:v1+s17+$0xC10 ss:$0x1], $0xffff  }
0x64: {  	s19 =	sshra.s32 s18, $0x2;
	s18 =	sadd.s32 $0x200, s18;
	[tilespmem:v0+s17+$0x390 ss:$0x1] =	vst.idx.msk $0xffff, v8;
	v7 =	vld.idx.msk [tilespmem:v1+s17+$0xC20 ss:$0x1], $0xffff  }
0x65: {  	_ =	sdelay $0x3  }
0x66: {  	[tilespmem:v0+s17+$0x3A0 ss:$0x1] =	vst.idx.msk $0xffff, v2  }
0x67: {  	v32 =	vld.idx.msk [tilespmem:v1+s19+$0xC30 ss:$0x1], $0xffff;
	[tilespmem:v0+s17+$0x3B0 ss:$0x1] =	vst.idx.msk $0xffff, v3  }
0x68: {  	v33 =	vld.idx.msk [tilespmem:v1+s19+$0xFFFFFFC0 ss:$0x1], $0xffff;
	[tilespmem:v0+s17+$0x3C0 ss:$0x1] =	vst.idx.msk $0xffff, v4  }
0x69: {  	v34 =	vld.idx.msk [tilespmem:v1+s19+$0xFFFFFFD0 ss:$0x1], $0xffff;
	[tilespmem:v0+s17+$0x3D0 ss:$0x1] =	vst.idx.msk $0xffff, v5  }
0x6a: {  	v35 =	vld.idx.msk [tilespmem:v1+s19+$0xFFFFFFE0 ss:$0x1], $0xffff;
	[tilespmem:v0+s17+$0x3E0 ss:$0x1] =	vst.idx.msk $0xffff, v6  }
0x6b: {  	v36 =	vld.idx.msk [tilespmem:v1+s19+$0xFFFFFFF0 ss:$0x1], $0xffff;
	[tilespmem:v0+s17+$0x3F0 ss:$0x1] =	vst.idx.msk $0xffff, v7  }
0x6c: {  	v37 =	vld.idx.msk [tilespmem:v1+s19+$0x0 ss:$0x1], $0xffff;
	[tilespmem:v0+s19+$0x400 ss:$0x1] =	vst.idx.msk $0xffff, v32  }
0x6d: {  	v38 =	vld.idx.msk [tilespmem:v1+s19+$0x10 ss:$0x1], $0xffff;
	[tilespmem:v0+s19+$0xFFFFF790 ss:$0x1] =	vst.idx.msk $0xffff, v33  }
0x6e: {  	v39 =	vld.idx.msk [tilespmem:v1+s19+$0x20 ss:$0x1], $0xffff;
	[tilespmem:v0+s19+$0xFFFFF7A0 ss:$0x1] =	vst.idx.msk $0xffff, v34  }
0x6f: {  	v40 =	vld.idx.msk [tilespmem:v1+s19+$0x30 ss:$0x1], $0xffff;
	[tilespmem:v0+s19+$0xFFFFF7B0 ss:$0x1] =	vst.idx.msk $0xffff, v35  }
0x70: {  	v41 =	vld.idx.msk [tilespmem:v1+s19+$0x3C0 ss:$0x1], $0xffff;
	[tilespmem:v0+s19+$0xFFFFF7C0 ss:$0x1] =	vst.idx.msk $0xffff, v36  }
0x71: {  	v42 =	vld.idx.msk [tilespmem:v1+s19+$0x3D0 ss:$0x1], $0xffff;
	[tilespmem:v0+s19+$0xFFFFF7D0 ss:$0x1] =	vst.idx.msk $0xffff, v37  }
0x72: {  	v43 =	vld.idx.msk [tilespmem:v1+s19+$0x3E0 ss:$0x1], $0xffff;
	[tilespmem:v0+s19+$0xFFFFF7E0 ss:$0x1] =	vst.idx.msk $0xffff, v38  }
0x73: {  	v44 =	vld.idx.msk [tilespmem:v1+s19+$0x3F0 ss:$0x1], $0xffff;
	[tilespmem:v0+s19+$0xFFFFF7F0 ss:$0x1] =	vst.idx.msk $0xffff, v39  }
0x74: {  	v45 =	vld.idx.msk [tilespmem:v1+s19+$0x400 ss:$0x1], $0xffff;
	[tilespmem:v0+s19+$0xFFFFF800 ss:$0x1] =	vst.idx.msk $0xffff, v40  }
0x75: {  	v46 =	vld.idx.msk [tilespmem:v1+s19+$0x410 ss:$0x1], $0xffff;
	[tilespmem:v0+s19+$0xFFFFFB90 ss:$0x1] =	vst.idx.msk $0xffff, v41  }
0x76: {  	v47 =	vld.idx.msk [tilespmem:v1+s19+$0x420 ss:$0x1], $0xffff;
	[tilespmem:v0+s19+$0xFFFFFBA0 ss:$0x1] =	vst.idx.msk $0xffff, v42  }
0x77: {  	v48 =	vld.idx.msk [tilespmem:v1+s19+$0x430 ss:$0x1], $0xffff;
	[tilespmem:v0+s19+$0xFFFFFBB0 ss:$0x1] =	vst.idx.msk $0xffff, v43  }
0x78: {  	v49 =	vld.idx.msk [tilespmem:v1+s19+$0x7C0 ss:$0x1], $0xffff;
	[tilespmem:v0+s19+$0xFFFFFBC0 ss:$0x1] =	vst.idx.msk $0xffff, v44  }
0x79: {  	v50 =	vld.idx.msk [tilespmem:v1+s19+$0x7D0 ss:$0x1], $0xffff;
	[tilespmem:v0+s19+$0xFFFFFBD0 ss:$0x1] =	vst.idx.msk $0xffff, v45  }
0x7a: {  	v51 =	vld.idx.msk [tilespmem:v1+s19+$0x7E0 ss:$0x1], $0xffff;
	[tilespmem:v0+s19+$0xFFFFFBE0 ss:$0x1] =	vst.idx.msk $0xffff, v46  }
0x7b: {  	v52 =	vld.idx.msk [tilespmem:v1+s19+$0x7F0 ss:$0x1], $0xffff;
	[tilespmem:v0+s19+$0xFFFFFBF0 ss:$0x1] =	vst.idx.msk $0xffff, v47  }
0x7c: {  	v53 =	vld.idx.msk [tilespmem:v1+s19+$0x800 ss:$0x1], $0xffff;
	[tilespmem:v0+s19+$0xFFFFFC00 ss:$0x1] =	vst.idx.msk $0xffff, v48  }
0x7d: {  	v54 =	vld.idx.msk [tilespmem:v1+s19+$0x810 ss:$0x1], $0xffff;
	[tilespmem:v0+s19+$0xFFFFFF90 ss:$0x1] =	vst.idx.msk $0xffff, v49  }
0x7e: {  	v55 =	vld.idx.msk [tilespmem:v1+s19+$0x820 ss:$0x1], $0xffff;
	[tilespmem:v0+s19+$0xFFFFFFA0 ss:$0x1] =	vst.idx.msk $0xffff, v50  }
0x7f: {  	v56 =	vld.idx.msk [tilespmem:v1+s19+$0x830 ss:$0x1], $0xffff;
	[tilespmem:v0+s19+$0xFFFFFFB0 ss:$0x1] =	vst.idx.msk $0xffff, v51  }
0x80: {  	v57 =	vld.idx.msk [tilespmem:v1+s19+$0xBC0 ss:$0x1], $0xffff;
	[tilespmem:v0+s19+$0xFFFFFFC0 ss:$0x1] =	vst.idx.msk $0xffff, v52  }
0x81: {  	v58 =	vld.idx.msk [tilespmem:v1+s19+$0xBD0 ss:$0x1], $0xffff;
	[tilespmem:v0+s19+$0xFFFFFFD0 ss:$0x1] =	vst.idx.msk $0xffff, v53  }
0x82: {  	v59 =	vld.idx.msk [tilespmem:v1+s19+$0xBE0 ss:$0x1], $0xffff;
	[tilespmem:v0+s19+$0xFFFFFFE0 ss:$0x1] =	vst.idx.msk $0xffff, v54  }
0x83: {  	v60 =	vld.idx.msk [tilespmem:v1+s19+$0xBF0 ss:$0x1], $0xffff;
	[tilespmem:v0+s19+$0xFFFFFFF0 ss:$0x1] =	vst.idx.msk $0xffff, v55  }
0x84: {  	v61 =	vld.idx.msk [tilespmem:v1+s19+$0xC00 ss:$0x1], $0xffff;
	[tilespmem:v0+s19+$0x0 ss:$0x1] =	vst.idx.msk $0xffff, v56  }
0x85: {  	v62 =	vld.idx.msk [tilespmem:v1+s19+$0xC10 ss:$0x1], $0xffff;
	s16 =	sadd.s32 $0x1, s16;
	[tilespmem:v0+s19+$0x390 ss:$0x1] =	vst.idx.msk $0xffff, v57  }
0x86: {  	v63 =	vld.idx.msk [tilespmem:v1+s19+$0xC20 ss:$0x1], $0xffff;
	p1 =	sne.s32 s16, $0x4;
	[tilespmem:v0+s19+$0x3A0 ss:$0x1] =	vst.idx.msk $0xffff, v58  }
.Ltmp4:
0x87: {  	[tilespmem:v0+s19+$0x3B0 ss:$0x1] =	vst.idx.msk $0xffff, v59;
	(pc) =	sbr.rel @p1 .LBB1_3-.Ltmp4, $4  }
0x88: {  	[tilespmem:v0+s19+$0x3C0 ss:$0x1] =	vst.idx.msk $0xffff, v60  }
0x89: {  	[tilespmem:v0+s19+$0x3D0 ss:$0x1] =	vst.idx.msk $0xffff, v61  }
0x8a: {  	[tilespmem:v0+s19+$0x3E0 ss:$0x1] =	vst.idx.msk $0xffff, v62  }
0x8b: {  	s13 =	sadd.s32 $0x1000, s13;
	s15 =	sadd.s32 $0x1000, s15;
	[tilespmem:v0+s19+$0x3F0 ss:$0x1] =	vst.idx.msk $0xffff, v63  }
0x8c: {  	s12 =	smul.u32 $0xB000, s12  }
.Ltmp5:
0x8d: {  	_ = 	snop;
	(pc) =	sbr.rel .LBB1_7-.Ltmp5, $4  }
0x8e: {  	_ = 	snop  }
0x8f: {  	s11 =	sshll.u32 s11, $0x9;
	s12 =	sadd.s32 s3, s12  }
0x90: {  	s11 =	sadd.s32 s11, s12  }
0x91: {  	[hbm4b:s11+s6] =	stream.strided.scatter [tilespmem:s14], [sflag:$0x2], $0x4000, s7, s6, $0x38;
	[tilespmem:$0x10000] =	vst v63  }
.LBB1_8:
0x92: {  	_ =	sfence.sel $0x180000  }
0x93: {  	s2 =	simm.s32 $0x1;
	[bflag:$0x0] =	sbarrier.arrive $0xFFFF  }
0x94: {  	s31 =	simm.s32 $0x2;
	[sflag:s2] =	ssyncpa.u1 $0x1  }
0x95: {  	[sflag:s31] =	ssyncpa.u1 $0x1  }
0x96: {  	p0 =	sne.s32 s1, $0x0;
	_ =	strace $0x90000047  }
0x97: {  	s0 =	sadd.s32 @!p0 $0x100000, s0;
	[bflag:$0x2] =	sbarrier.arrive $0xFFFF  }
0x98: {  	[sflag:s0] =	ssyncadd.tile.s32 @!p0 $0x1;
	_ =	shalt  }
.Lfunc_end1:
_tile_overlayer_lowered:
.L_overlay_start_2:
0x99: {  	(tag) =	ssettag $0x2  }
0x9a: {  	s0 =	rddreg [dreg:$0x0];
	s2 =	stileid.u32  }
0x9b: {  	s1 =	rddreg [dreg:$0x1];
	p0 =	sne.s32 s2, $0x0  }
0x9c: {  	s3 =	rddreg [dreg:$0x2];
	[bflag:$0x3] =	sbarrier.arrive $0xFFFF;
	s2 =	simm.s32 @!p0 $0x1C01  }
0x9d: {  	[timem:s3], [sflag:s2] =	dma.local @!p0 [hbm:s0], s1  }
0x9e: {  	s0 =	simm.s32 @!p0 $0x1  }
0x9f: {  	_ =	swait.ge @!p0 [sflag:s0], s1  }
0xa0: {  	s1 =	ssub.s32 @!p0 $0x0, s1;
	[sflag:s0] =	ssyncset.done @!p0 $0x0  }
0xa1: {  	[sflag:s0] =	ssyncadd.s32 @!p0 s1  }
0xa2: {  	[bflag:$0x3] =	sbarrier.arrive $0xFFFF  }
0xa3: {  	_ =	shalt  }

</sc_bundles>
